<compile_context>
chip_gen: v7x
topology: tpu7x:2x2x1
jax: 0.10.2.dev20260603
libtpu: 0.0.44.dev20260713+nightly
codegen_flags: <defaults>
</compile_context>

<pallas_src>
import dataclasses

import jax
import jax.numpy as jnp
from jax import lax
from jax.experimental import pallas as pl
from jax.experimental.pallas import tpu as pltpu
from jax.experimental.pallas import tpu_sc as plsc

_D = 1024
_H = 16
_KS = 3
_K = 64
_L = 2048
_LOUT = _L - _KS + 1
_LANES = 16
_CHUNKS = _L // _LANES
_PRE_ITERS = 6
_FINE_ITERS = 24


def _roll(x, shift):
    return pltpu.roll(x, shift % x.shape[1], 1)



def _conv_bn_body(src_ref, w_ref, p_ref, xn_ref, bnd_ref):
    src = src_ref[0]
    W = w_ref[...]
    Y = lax.dot_general(W, src, (((1,), (0,)), ((), ())),
                        preferred_element_type=jnp.float32)
    b_att = p_ref[:, 0:1]
    gamma = p_ref[:, 1:2]
    beta = p_ref[:, 2:3]
    xh = Y[0:_H] + _roll(Y[_H:2 * _H], -1) + _roll(Y[2 * _H:3 * _H], -2) + b_att
    lane = lax.broadcasted_iota(jnp.int32, (_H, _L), 1)
    valid = lane < _LOUT
    cnt = jnp.float32(_LOUT)
    xv = jnp.where(valid, xh, 0.0)
    mean = jnp.sum(xv, axis=1, keepdims=True) / cnt
    dx = jnp.where(valid, xh - mean, 0.0)
    var = jnp.sum(dx * dx, axis=1, keepdims=True) / cnt
    xn = (xh - mean) * lax.rsqrt(var + 1e-5) * gamma + beta
    tail = beta - 2.0 * jnp.abs(gamma)
    xn_ref[...] = jnp.where(valid, xn, tail)
    ag = jnp.abs(gamma)
    xm = jnp.where(valid, xn, jnp.float32(-jnp.inf))

    def bis(_, carry):
        lo, hi = carry
        mid = 0.5 * (lo + hi)
        c = jnp.sum(jnp.where(xm >= mid, 1.0, 0.0), axis=1, keepdims=True)
        ge = c >= jnp.float32(_K)
        return jnp.where(ge, mid, lo), jnp.where(ge, hi, mid)

    lo, hi = lax.fori_loop(0, _PRE_ITERS, bis,
                           (beta - 1.05 * ag, beta + 5.7 * ag))
    bnd_ref[...] = jnp.concatenate(
        [lo, hi, jnp.zeros((_H, _LANES - 2), jnp.float32)], axis=1)



def _sc_threshold_body(xn_hbm, bnd_hbm, thr_hbm, row_v, cbuf_v, bnd_v, thr_v,
                       sem_a, sem_b):
    wid = lax.axis_index("s") * 2 + lax.axis_index("c")
    ca = pltpu.async_copy(xn_hbm.at[wid], row_v, sem_a)
    cb = pltpu.async_copy(bnd_hbm.at[wid], bnd_v, sem_b)
    cb.wait()
    bv = bnd_v[...]
    lo0 = bv[0]
    hi0 = bv[1]
    kf = jnp.float32(_K)
    ones = jnp.ones((_LANES,), jnp.float32)
    zeros = jnp.zeros((_LANES,), jnp.float32)
    ca.wait()
    lo = lo0
    hi = hi0

    def compact(i, off):
        v = row_v[pl.ds(i * _LANES, _LANES)]
        m = v >= lo
        plsc.store_compressed(cbuf_v.at[pl.ds(off, _LANES)], v, mask=m)
        return off + jnp.max(plsc.all_reduce_population_count(m))

    ccount = lax.fori_loop(0, _CHUNKS, compact, jnp.int32(0))
    cbuf_v[pl.ds(ccount, _LANES)] = jnp.broadcast_to(lo0 - 1.0, (_LANES,))
    nchunks = (ccount + _LANES - 1) // _LANES

    def count_compact(t):
        def chunk(i, acc):
            v = cbuf_v[pl.ds(i * _LANES, _LANES)]
            return acc + jnp.where(v >= t, ones, zeros)
        acc = lax.fori_loop(0, nchunks, chunk, zeros)
        return jnp.sum(acc)

    def fine(_, carry):
        lo, hi = carry
        mid = 0.5 * (lo + hi)
        ge = count_compact(mid) >= kf
        return jnp.where(ge, mid, lo), jnp.where(ge, hi, mid)

    lo, hi = lax.fori_loop(0, _FINE_ITERS, fine, (lo, hi))
    thr_v[...] = jnp.broadcast_to(lo, (_LANES,))
    pltpu.sync_copy(thr_v, thr_hbm.at[wid])


def _sc_thresholds(xn32, bounds):
    mesh = plsc.VectorSubcoreMesh(core_axis_name="c", subcore_axis_name="s")
    cp = pltpu.CompilerParams()
    if "needs_layout_passes" in pltpu.CompilerParams.__dataclass_fields__:
        cp = dataclasses.replace(cp, needs_layout_passes=False)
    kfn = pl.kernel(
        _sc_threshold_body,
        out_type=jax.ShapeDtypeStruct((xn32.shape[0], _LANES), jnp.float32),
        mesh=mesh,
        scratch_types=[
            pltpu.VMEM((_L,), jnp.float32),
            pltpu.VMEM((_L + _LANES,), jnp.float32),
            pltpu.VMEM((_LANES,), jnp.float32),
            pltpu.VMEM((_LANES,), jnp.float32),
            pltpu.SemaphoreType.DMA,
            pltpu.SemaphoreType.DMA,
        ],
        compiler_params=cp,
    )
    return kfn(xn32, bounds)



def _mask_scale_body(src_ref, xn_ref, thr_ref, p_ref, out_ref):
    xn = xn_ref[...]
    thr = thr_ref[:, 0:1]
    wc = p_ref[:, 3:4]
    mask = xn >= thr
    sm = jnp.where(mask, jax.nn.sigmoid(xn), 0.0)
    acc = sm + _roll(sm, 1) + _roll(sm, 2)
    wvec = jnp.sum(acc * wc, axis=0, keepdims=True) * jnp.float32(1.0 / _KS)
    out_ref[0] = src_ref[0] * wvec + p_ref[0:1, 4:5]


def kernel(src_seqs, W_att, b_att, gamma, beta, W_comb, b_comb):
    B = src_seqs.shape[0]
    Wt = jnp.transpose(W_att, (2, 0, 1)).reshape(_KS * _H, _D)
    params = jnp.stack([b_att, gamma, beta, W_comb[0, :, 0],
                        jnp.full((_H,), b_comb[0], jnp.float32)], axis=1)
    params = jnp.pad(params, ((0, 0), (0, 3)))
    xn32, bounds = pl.pallas_call(
        _conv_bn_body,
        grid=(B,),
        in_specs=[
            pl.BlockSpec((1, _D, _L), lambda b: (b, 0, 0)),
            pl.BlockSpec((_KS * _H, _D), lambda b: (0, 0)),
            pl.BlockSpec((_H, 8), lambda b: (0, 0)),
        ],
        out_specs=[
            pl.BlockSpec((_H, _L), lambda b: (b, 0)),
            pl.BlockSpec((_H, _LANES), lambda b: (b, 0)),
        ],
        out_shape=[
            jax.ShapeDtypeStruct((B * _H, _L), jnp.float32),
            jax.ShapeDtypeStruct((B * _H, _LANES), jnp.float32),
        ],
    )(src_seqs, Wt, params)

    thr = _sc_thresholds(xn32, bounds)

    return pl.pallas_call(
        _mask_scale_body,
        grid=(B,),
        in_specs=[
            pl.BlockSpec((1, _D, _L), lambda b: (b, 0, 0)),
            pl.BlockSpec((_H, _L), lambda b: (b, 0)),
            pl.BlockSpec((_H, _LANES), lambda b: (b, 0)),
            pl.BlockSpec((_H, 8), lambda b: (0, 0)),
        ],
        out_specs=pl.BlockSpec((1, _D, _L), lambda b: (b, 0, 0)),
        out_shape=jax.ShapeDtypeStruct(src_seqs.shape, jnp.float32),
    )(src_seqs, xn32, thr, params)

# --- scband reference (transcript-rebuilt; emitter-appended) ---
"""Pipeline reference for scband-conv-head-78675210928169 (READ-ONLY COPY).

The authoritative reference and input builder live on the scoring server;
editing this copy changes nothing except your own understanding.
"""

import jax, jax.numpy as jnp
import numpy as np

INPUT_DEPTH = 1024
N_HEADS = 16
KERNEL_SIZE = 3
K_TOP = 64
BATCH = 2
SEQ_LEN = 2048


def setup_inputs(seed: int = 0):
    key = jax.random.key(seed)
    k0, k1, k2 = jax.random.split(key, 3)
    src_seqs = jax.random.normal(k0, (BATCH, INPUT_DEPTH, SEQ_LEN), dtype=jnp.float32)
    # att_conv: Conv1d(input_depth, n_heads, kernel_size)
    fan_in = INPUT_DEPTH * KERNEL_SIZE
    W_att = jax.random.normal(k1, (N_HEADS, INPUT_DEPTH, KERNEL_SIZE), dtype=jnp.float32) / np.float32(np.sqrt(fan_in))
    b_att = jnp.zeros((N_HEADS,), jnp.float32)
    # att_bn: BatchNorm1d(n_heads)
    gamma = jnp.ones((N_HEADS,), jnp.float32)
    beta = jnp.zeros((N_HEADS,), jnp.float32)
    # combine_conv: Conv1d(n_heads, 1, 1)
    W_comb = jax.random.normal(k2, (1, N_HEADS, 1), dtype=jnp.float32) / np.float32(np.sqrt(N_HEADS))
    b_comb = jnp.zeros((1,), jnp.float32)
    return {"src_seqs": src_seqs, "W_att": W_att, "b_att": b_att,
            "gamma": gamma, "beta": beta, "W_comb": W_comb, "b_comb": b_comb}


def reference(src_seqs, W_att, b_att, gamma, beta, W_comb, b_comb):
    ks = KERNEL_SIZE
    k = K_TOP

    def one(src_seq):  # src_seq: [D, L]
        # att_conv (valid padding)
        x = jax.lax.conv_general_dilated(
            src_seq[None], W_att, window_strides=(1,), padding='VALID',
            dimension_numbers=('NCH', 'OIH', 'NCH')) + b_att[None, :, None]  # [1, H, Lout]
        # BatchNorm1d in training mode: batch statistics over (N, L) per channel
        mean = jnp.mean(x, axis=(0, 2), keepdims=True)
        var = jnp.var(x, axis=(0, 2), keepdims=True)
        x = (x - mean) / jnp.sqrt(var + 1e-5) * gamma[None, :, None] + beta[None, :, None]
        xh = x[0]  # [H, Lout]
        H, Lout = xh.shape
        # top-k indices per head along length, then sort (softkmax_mask)
        _, idx = jax.lax.top_k(xh, k)          # [H, k]
        idx = jnp.sort(idx, axis=1)
        mask = jnp.zeros((H, Lout), xh.dtype).at[jnp.arange(H)[:, None], idx].set(1.0)
        softmask = jax.nn.sigmoid(xh) * mask   # [H, Lout]
        L = src_seq.shape[1]
        acc = jnp.zeros((H, L), xh.dtype)
        for i in range(ks):
            acc = acc + jnp.pad(softmask, ((0, 0), (i, ks - 1 - i)))
        # softmasked_src = sum_i exp_src * pad(softmask) / ks  -> [H, D, L]
        masked = src_seq[None, :, :] * acc[:, None, :] / ks
        masked = jnp.transpose(masked, (1, 0, 2))  # [D, H, L]
        # combine_conv: Conv1d(n_heads, 1, 1); dropout is identity in eval
        comb = jnp.einsum('dhl,h->dl', masked, W_comb[0, :, 0]) + b_comb[0]  # [D, L]
        return comb

    return jax.vmap(one)(src_seqs)  # [B, D, L] (stacked list of heads)

if __name__ == "__main__":
    import jax
    _d = setup_inputs()
    print(jax.jit(kernel)(*tuple(_d.values())))

</pallas_src>

<mosaic_0001>
#map = affine_map<(d0, d1) -> (0, 0)>
module attributes {stable_mosaic.version = 14 : i64} {
  func.func @_sc_threshold_body(%arg0: i32, %arg1: i32, %arg2: memref<32x2048xf32, #tpu.memory_space<hbm>>, %arg3: memref<32x16xf32, #tpu.memory_space<hbm>>, %arg4: memref<32x16xf32, #tpu.memory_space<hbm>>, %arg5: memref<2048xf32, #tpu.memory_space<vmem>>, %arg6: memref<2064xf32, #tpu.memory_space<vmem>>, %arg7: memref<16xf32, #tpu.memory_space<vmem>>, %arg8: memref<16xf32, #tpu.memory_space<vmem>>, %arg9: memref<!tpu.dma_semaphore, #tpu.memory_space<semaphore_mem>>, %arg10: memref<!tpu.dma_semaphore, #tpu.memory_space<semaphore_mem>>) attributes {dimension_semantics = [#tpu.dimension_semantics<core_parallel>, #tpu.dimension_semantics<subcore_parallel>], iteration_bounds = array<i64: 2, 16>, scalar_prefetch = 0 : i64, scratch_operands = 6 : i64, tpu.core_type = #tpu.core_type<sc_vector_subcore>, window_params = [{transform_indices = #map}, {transform_indices = #map}, {transform_indices = #map}]} {
    %mul3A = arith.constant 2 : i32
    %mul3A_0 = arith.muli %arg1, %mul3A : i32
    %add3A = arith.addi %mul3A_0, %arg0 : i32
    %dma_start3A = arith.constant 0 : i32
    %dma_start3A_1 = tpu.memref_slice %arg2[%add3A, %dma_start3A] : memref<32x2048xf32, #tpu.memory_space<hbm>> -> memref<1x2048xf32, #tpu.memory_space<hbm>>
    %dma_start3A_2 = tpu.memref_squeeze %dma_start3A_1 : memref<1x2048xf32, #tpu.memory_space<hbm>> -> memref<2048xf32, #tpu.memory_space<hbm>>
    %dma_start3A_3 = arith.constant 0 : i32
    %dma_start3A_4 = tpu.memref_slice %arg2[%add3A, %dma_start3A_3] : memref<32x2048xf32, #tpu.memory_space<hbm>> -> memref<1x2048xf32, #tpu.memory_space<hbm>>
    %dma_start3A_5 = tpu.memref_squeeze %dma_start3A_4 : memref<1x2048xf32, #tpu.memory_space<hbm>> -> memref<2048xf32, #tpu.memory_space<hbm>>
    tpu.enqueue_dma source(%dma_start3A_5 : memref<2048xf32, #tpu.memory_space<hbm>>) target(%arg5 : memref<2048xf32, #tpu.memory_space<vmem>>) target_semaphore(%arg9 : memref<!tpu.dma_semaphore, #tpu.memory_space<semaphore_mem>>)
    %dma_start3A_6 = arith.constant 0 : i32
    %dma_start3A_7 = tpu.memref_slice %arg3[%add3A, %dma_start3A_6] : memref<32x16xf32, #tpu.memory_space<hbm>> -> memref<1x16xf32, #tpu.memory_space<hbm>>
    %dma_start3A_8 = tpu.memref_squeeze %dma_start3A_7 : memref<1x16xf32, #tpu.memory_space<hbm>> -> memref<16xf32, #tpu.memory_space<hbm>>
    %dma_start3A_9 = arith.constant 0 : i32
    %dma_start3A_10 = tpu.memref_slice %arg3[%add3A, %dma_start3A_9] : memref<32x16xf32, #tpu.memory_space<hbm>> -> memref<1x16xf32, #tpu.memory_space<hbm>>
    %dma_start3A_11 = tpu.memref_squeeze %dma_start3A_10 : memref<1x16xf32, #tpu.memory_space<hbm>> -> memref<16xf32, #tpu.memory_space<hbm>>
    tpu.enqueue_dma source(%dma_start3A_11 : memref<16xf32, #tpu.memory_space<hbm>>) target(%arg7 : memref<16xf32, #tpu.memory_space<vmem>>) target_semaphore(%arg10 : memref<!tpu.dma_semaphore, #tpu.memory_space<semaphore_mem>>)
    %dma_wait3A = arith.constant 0 : i32
    %dma_wait3A_12 = tpu.memref_slice %arg3[%add3A, %dma_wait3A] : memref<32x16xf32, #tpu.memory_space<hbm>> -> memref<1x16xf32, #tpu.memory_space<hbm>>
    %dma_wait3A_13 = tpu.memref_squeeze %dma_wait3A_12 : memref<1x16xf32, #tpu.memory_space<hbm>> -> memref<16xf32, #tpu.memory_space<hbm>>
    %dma_wait3A_14 = arith.constant 0 : i32
    %dma_wait3A_15 = tpu.memref_slice %arg3[%add3A, %dma_wait3A_14] : memref<32x16xf32, #tpu.memory_space<hbm>> -> memref<1x16xf32, #tpu.memory_space<hbm>>
    %dma_wait3A_16 = tpu.memref_squeeze %dma_wait3A_15 : memref<1x16xf32, #tpu.memory_space<hbm>> -> memref<16xf32, #tpu.memory_space<hbm>>
    tpu.wait_dma2 semaphore(%arg10 : memref<!tpu.dma_semaphore, #tpu.memory_space<semaphore_mem>>) src(%dma_wait3A_16 : memref<16xf32, #tpu.memory_space<hbm>>) dst(%arg7 : memref<16xf32, #tpu.memory_space<vmem>>)
    %get3A = arith.constant 0 : index
    %get3A_17 = tpu.vector_load %arg7[%get3A] {strides = array<i32>} : memref<16xf32, #tpu.memory_space<vmem>>, vector<16xf32>,
    %slice3A = vector.extract_strided_slice %get3A_17 {offsets = [0], sizes = [1], strides = [1]} : vector<16xf32> to vector<1xf32>
    %squeeze3A = vector.extract %slice3A[0] : f32 from vector<1xf32>
    %slice3A_18 = vector.extract_strided_slice %get3A_17 {offsets = [1], sizes = [1], strides = [1]} : vector<16xf32> to vector<1xf32>
    %squeeze3A_19 = vector.extract %slice3A_18[0] : f32 from vector<1xf32>
    %broadcast_in_dim3A = arith.constant 1.000000e+00 : f32
    %broadcast_in_dim3A_20 = vector.broadcast %broadcast_in_dim3A : f32 to vector<16xf32>
    %broadcast_in_dim3A_21 = arith.constant 0.000000e+00 : f32
    %broadcast_in_dim3A_22 = vector.broadcast %broadcast_in_dim3A_21 : f32 to vector<16xf32>
    %dma_wait3A_23 = arith.constant 0 : i32
    %dma_wait3A_24 = tpu.memref_slice %arg2[%add3A, %dma_wait3A_23] : memref<32x2048xf32, #tpu.memory_space<hbm>> -> memref<1x2048xf32, #tpu.memory_space<hbm>>
    %dma_wait3A_25 = tpu.memref_squeeze %dma_wait3A_24 : memref<1x2048xf32, #tpu.memory_space<hbm>> -> memref<2048xf32, #tpu.memory_space<hbm>>
    %dma_wait3A_26 = arith.constant 0 : i32
    %dma_wait3A_27 = tpu.memref_slice %arg2[%add3A, %dma_wait3A_26] : memref<32x2048xf32, #tpu.memory_space<hbm>> -> memref<1x2048xf32, #tpu.memory_space<hbm>>
    %dma_wait3A_28 = tpu.memref_squeeze %dma_wait3A_27 : memref<1x2048xf32, #tpu.memory_space<hbm>> -> memref<2048xf32, #tpu.memory_space<hbm>>
    tpu.wait_dma2 semaphore(%arg9 : memref<!tpu.dma_semaphore, #tpu.memory_space<semaphore_mem>>) src(%dma_wait3A_28 : memref<2048xf32, #tpu.memory_space<hbm>>) dst(%arg5 : memref<2048xf32, #tpu.memory_space<vmem>>)
    %scan3A = arith.constant 0 : i32
    %scan3A_29 = arith.constant 0 : i32
    %scan3A_30 = arith.constant 128 : i32
    %scan3A_31 = arith.addi %scan3A_29, %scan3A_30 : i32
    %scan3A_32 = arith.constant 1 : i32
    %scan3A_33 = scf.for %scan3A_69 = %scan3A_29 to %scan3A_31 step %scan3A_32 iter_args(%scan3A_70 = %scan3A) -> (i32)  : i32 {
      %mul3A_71 = arith.constant 16 : i32
      %mul3A_72 = arith.muli %scan3A_69, %mul3A_71 : i32
      %get3A_73 = arith.index_cast %mul3A_72 : i32 to index
      %get3A_74 = tpu.vector_load %arg5[%get3A_73] {strides = array<i32>} : memref<2048xf32, #tpu.memory_space<vmem>>, vector<16xf32>,
      %ge3A = vector.broadcast %squeeze3A : f32 to vector<16xf32>
      %ge3A_75 = arith.cmpf oge, %get3A_74, %ge3A : vector<16xf32>
      %swap3A_76 = arith.index_cast %scan3A_70 : i32 to index
      %swap3A_77 = tpu.vector_load %arg6[%swap3A_76] masked %ge3A_75 {strides = array<i32>} : memref<2064xf32, #tpu.memory_space<vmem>>, vector<16xf32>, vector<16xi1>
      tpu.vector_store %arg6[%swap3A_76], %get3A_74 masked %ge3A_75 {strides = array<i32>} : memref<2064xf32, #tpu.memory_space<vmem>>, vector<16xf32>, vector<16xi1>
      %all_reduce_population_count3A = tpu.all_reduce %ge3A_75 {dim = 0 : i64, kind = #tpu.reduction_kind<sum>} : vector<16xi1> -> vector<16xi32>
      %reduce_max3A = arith.constant true
      %reduce_max3A_78 = vector.broadcast %reduce_max3A : i1 to vector<16xi1>
      %reduce_max3A_79 = arith.constant -2147483648 : i32
      %reduce_max3A_80 = vector.broadcast %reduce_max3A_79 : i32 to vector<16xi32>
      %reduce_max3A_81 = arith.xori %all_reduce_population_count3A, %reduce_max3A_80 : vector<16xi32>
      %reduce_max3A_82 = tpu.scan <max>, %reduce_max3A_81 masked %reduce_max3A_78 : vector<16xi32>, vector<16xi1> -> vector<16xi32>
      %reduce_max3A_83 = arith.xori %reduce_max3A_82, %reduce_max3A_80 : vector<16xi32>
      %reduce_max3A_84 = vector.extract %reduce_max3A_83[15] : i32 from vector<16xi32>
      %add3A_85 = arith.addi %scan3A_70, %reduce_max3A_84 : i32
      scf.yield %add3A_85 : i32
    }
    %scan3A_34 = arith.constant 128 : i32
    %sub3A = arith.constant 1.000000e+00 : f32
    %sub3A_35 = arith.subf %squeeze3A, %sub3A : f32
    %broadcast_in_dim3A_36 = vector.broadcast %sub3A_35 : f32 to vector<16xf32>
    %swap3A = arith.index_cast %scan3A_33 : i32 to index
    %swap3A_37 = tpu.vector_load %arg6[%swap3A] {strides = array<i32>} : memref<2064xf32, #tpu.memory_space<vmem>>, vector<16xf32>,
    tpu.vector_store %arg6[%swap3A], %broadcast_in_dim3A_36 {strides = array<i32>} : memref<2064xf32, #tpu.memory_space<vmem>>, vector<16xf32>,
    %add3A_38 = arith.constant 16 : i32
    %add3A_39 = arith.addi %scan3A_33, %add3A_38 : i32
    %sub3A_40 = arith.constant 1 : i32
    %sub3A_41 = arith.subi %add3A_39, %sub3A_40 : i32
    %jit3A = arith.constant 16 : i32
    %div3A = arith.divsi %sub3A_41, %jit3A : i32
    %sign3A = arith.constant 0 : i32
    %sign3A_42 = arith.cmpi sgt, %sub3A_41, %sign3A : i32
    %sign3A_43 = arith.extui %sign3A_42 : i1 to i32
    %sign3A_44 = arith.constant 0 : i32
    %sign3A_45 = arith.cmpi slt, %sub3A_41, %sign3A_44 : i32
    %sign3A_46 = arith.extui %sign3A_45 : i1 to i32
    %sign3A_47 = arith.subi %sign3A_43, %sign3A_46 : i32
    %sign3A_48 = arith.constant 0 : i32
    %sign3A_49 = arith.cmpi sgt, %jit3A, %sign3A_48 : i32
    %sign3A_50 = arith.extui %sign3A_49 : i1 to i32
    %sign3A_51 = arith.constant 0 : i32
    %sign3A_52 = arith.cmpi slt, %jit3A, %sign3A_51 : i32
    %sign3A_53 = arith.extui %sign3A_52 : i1 to i32
    %sign3A_54 = arith.subi %sign3A_50, %sign3A_53 : i32
    %ne3A = arith.cmpi ne, %sign3A_47, %sign3A_54 : i32
    %rem3A = arith.remsi %sub3A_41, %jit3A : i32
    %ne3A_55 = arith.constant 0 : i32
    %ne3A_56 = arith.cmpi ne, %rem3A, %ne3A_55 : i32
    %and3A = arith.andi %ne3A, %ne3A_56 : i1
    %sub3A_57 = arith.constant 1 : i32
    %sub3A_58 = arith.subi %div3A, %sub3A_57 : i32
    %select_n3A = arith.select %and3A, %sub3A_58, %div3A : i32
    %scan3A_59 = arith.constant 6.400000e+01 : f32
    %scan3A_60 = arith.constant 0 : i32
    %scan3A_61 = arith.constant 24 : i32
    %scan3A_62 = arith.addi %scan3A_60, %scan3A_61 : i32
    %scan3A_63 = arith.constant 1 : i32
    %scan3A_64:2 = scf.for %scan3A_69 = %scan3A_60 to %scan3A_62 step %scan3A_63 iter_args(%scan3A_70 = %squeeze3A, %scan3A_71 = %squeeze3A_19) -> (f32, f32)  : i32 {
      %add3A_72 = arith.addf %scan3A_70, %scan3A_71 : f32
      %mul3A_73 = arith.constant 5.000000e-01 : f32
      %mul3A_74 = arith.mulf %mul3A_73, %add3A_72 : f32
      %while3A = arith.constant 0 : i32
      %while3A_75 = arith.subi %select_n3A, %while3A : i32
      %while3A_76 = arith.addi %while3A, %while3A_75 : i32
      %while3A_77 = arith.constant 1 : i32
      %while3A_78 = arith.divsi %while3A_75, %while3A_77 : i32
      %while3A_79 = arith.muli %while3A_78, %while3A_77 : i32
      %while3A_80 = arith.addi %while3A, %while3A_79 : i32
      %while3A_81 = arith.constant 1 : i32
      %while3A_82 = scf.for %while3A_90 = %while3A to %while3A_80 step %while3A_81 iter_args(%while3A_91 = %broadcast_in_dim3A_22) -> (vector<16xf32>)  : i32 {
        %mul3A_92 = arith.constant 16 : i32
        %mul3A_93 = arith.muli %while3A_90, %mul3A_92 : i32
        %get3A_94 = arith.index_cast %mul3A_93 : i32 to index
        %get3A_95 = tpu.vector_load %arg6[%get3A_94] {strides = array<i32>} : memref<2064xf32, #tpu.memory_space<vmem>>, vector<16xf32>,
        %ge3A_96 = vector.broadcast %mul3A_74 : f32 to vector<16xf32>
        %ge3A_97 = arith.cmpf oge, %get3A_95, %ge3A_96 : vector<16xf32>
        %select_n3A_98 = arith.select %ge3A_97, %broadcast_in_dim3A_20, %broadcast_in_dim3A_22 : vector<16xi1>, vector<16xf32>
        %add3A_99 = arith.addf %while3A_91, %select_n3A_98 : vector<16xf32>
        scf.yield %add3A_99 : vector<16xf32>
      }
      %while3A_83 = arith.constant 1 : i32
      %while3A_84 = scf.for %while3A_90 = %while3A_80 to %while3A_76 step %while3A_83 iter_args(%while3A_91 = %while3A_82) -> (vector<16xf32>)  : i32 {
        %mul3A_92 = arith.constant 16 : i32
        %mul3A_93 = arith.muli %while3A_90, %mul3A_92 : i32
        %get3A_94 = arith.index_cast %mul3A_93 : i32 to index
        %get3A_95 = tpu.vector_load %arg6[%get3A_94] {strides = array<i32>} : memref<2064xf32, #tpu.memory_space<vmem>>, vector<16xf32>,
        %ge3A_96 = vector.broadcast %mul3A_74 : f32 to vector<16xf32>
        %ge3A_97 = arith.cmpf oge, %get3A_95, %ge3A_96 : vector<16xf32>
        %select_n3A_98 = arith.select %ge3A_97, %broadcast_in_dim3A_20, %broadcast_in_dim3A_22 : vector<16xi1>, vector<16xf32>
        %add3A_99 = arith.addf %while3A_91, %select_n3A_98 : vector<16xf32>
        scf.yield %add3A_99 : vector<16xf32>
      }
      %reduce_sum3A = arith.constant true
      %reduce_sum3A_85 = vector.broadcast %reduce_sum3A : i1 to vector<16xi1>
      %reduce_sum3A_86 = tpu.scan <sum>, %while3A_84 masked %reduce_sum3A_85 : vector<16xf32>, vector<16xi1> -> vector<16xf32>
      %reduce_sum3A_87 = vector.extract %reduce_sum3A_86[15] : f32 from vector<16xf32>
      %ge3A = arith.cmpf oge, %reduce_sum3A_87, %scan3A_59 : f32
      %select_n3A_88 = arith.select %ge3A, %mul3A_74, %scan3A_70 : f32
      %select_n3A_89 = arith.select %ge3A, %scan3A_71, %mul3A_74 : f32
      scf.yield %select_n3A_88, %select_n3A_89 : f32, f32
    }
    %scan3A_65 = arith.constant 24 : i32
    %broadcast_in_dim3A_66 = vector.broadcast %scan3A_64#0 : f32 to vector<16xf32>
    %swap3A_67 = arith.constant 0 : index
    %swap3A_68 = tpu.vector_load %arg8[%swap3A_67] {strides = array<i32>} : memref<16xf32, #tpu.memory_space<vmem>>, vector<16xf32>,
    tpu.vector_store %arg8[%swap3A_67], %broadcast_in_dim3A_66 {strides = array<i32>} : memref<16xf32, #tpu.memory_space<vmem>>, vector<16xf32>,
    "tpu.region"() ({
      %run_scoped3A = tpu.sem_alloc : memref<!tpu.dma_semaphore, #tpu.memory_space<semaphore_mem>>
      %dma_start3A_69 = arith.constant 0 : i32
      %dma_start3A_70 = tpu.memref_slice %arg4[%add3A, %dma_start3A_69] : memref<32x16xf32, #tpu.memory_space<hbm>> -> memref<1x16xf32, #tpu.memory_space<hbm>>
      %dma_start3A_71 = tpu.memref_squeeze %dma_start3A_70 : memref<1x16xf32, #tpu.memory_space<hbm>> -> memref<16xf32, #tpu.memory_space<hbm>>
      %dma_start3A_72 = arith.constant 0 : i32
      %dma_start3A_73 = tpu.memref_slice %arg4[%add3A, %dma_start3A_72] : memref<32x16xf32, #tpu.memory_space<hbm>> -> memref<1x16xf32, #tpu.memory_space<hbm>>
      %dma_start3A_74 = tpu.memref_squeeze %dma_start3A_73 : memref<1x16xf32, #tpu.memory_space<hbm>> -> memref<16xf32, #tpu.memory_space<hbm>>
      tpu.enqueue_dma source(%arg8 : memref<16xf32, #tpu.memory_space<vmem>>) target(%dma_start3A_74 : memref<16xf32, #tpu.memory_space<hbm>>) target_semaphore(%run_scoped3A : memref<!tpu.dma_semaphore, #tpu.memory_space<semaphore_mem>>)
      %dma_wait3A_75 = arith.constant 0 : i32
      %dma_wait3A_76 = tpu.memref_slice %arg4[%add3A, %dma_wait3A_75] : memref<32x16xf32, #tpu.memory_space<hbm>> -> memref<1x16xf32, #tpu.memory_space<hbm>>
      %dma_wait3A_77 = tpu.memref_squeeze %dma_wait3A_76 : memref<1x16xf32, #tpu.memory_space<hbm>> -> memref<16xf32, #tpu.memory_space<hbm>>
      %dma_wait3A_78 = arith.constant 0 : i32
      %dma_wait3A_79 = tpu.memref_slice %arg4[%add3A, %dma_wait3A_78] : memref<32x16xf32, #tpu.memory_space<hbm>> -> memref<1x16xf32, #tpu.memory_space<hbm>>
      %dma_wait3A_80 = tpu.memref_squeeze %dma_wait3A_79 : memref<1x16xf32, #tpu.memory_space<hbm>> -> memref<16xf32, #tpu.memory_space<hbm>>
      tpu.wait_dma2 semaphore(%run_scoped3A : memref<!tpu.dma_semaphore, #tpu.memory_space<semaphore_mem>>) src(%arg8 : memref<16xf32, #tpu.memory_space<vmem>>) dst(%dma_wait3A_80 : memref<16xf32, #tpu.memory_space<hbm>>)
      tpu.yield
    }) : () -> ()
    return
  }
}

module attributes {stable_mosaic.version = 14 : i64} {
  func.func @_conv_bn_body(%arg0: i32, %arg1: memref<1x1024x2048xf32, #tpu.memory_space<vmem>>, %arg2: memref<48x1024xf32, #tpu.memory_space<vmem>>, %arg3: memref<16x8xf32, #tpu.memory_space<vmem>>, %arg4: memref<16x2048xf32, #tpu.memory_space<vmem>>, %arg5: memref<16x16xf32, #tpu.memory_space<vmem>>) attributes {dimension_semantics = [#tpu.dimension_semantics<arbitrary>], iteration_bounds = array<i64: 2>, scalar_prefetch = 0 : i64, scratch_operands = 0 : i64, tpu.core_type = #tpu.core_type<tc>, window_params = [{transform_indices = @transform_0, window_bounds = array<i64: 1, 1024, 2048>}, {pipeline_mode = #tpu.pipeline_mode<synchronous>, transform_indices = @transform_1, window_bounds = array<i64: 48, 1024>}, {pipeline_mode = #tpu.pipeline_mode<synchronous>, transform_indices = @transform_2, window_bounds = array<i64: 16, 8>}, {transform_indices = @transform_3, window_bounds = array<i64: 16, 2048>}, {transform_indices = @transform_4, window_bounds = array<i64: 16, 16>}]} {
    %get3A = arith.constant 0 : index
    %get3A_0 = arith.constant 0 : index
    %get3A_1 = arith.constant 0 : index
    %get3A_2 = vector.load %arg1[%get3A, %get3A_0, %get3A_1] : memref<1x1024x2048xf32, #tpu.memory_space<vmem>>, vector<1x1024x2048xf32>
    %get3A_3 = vector.shape_cast %get3A_2 : vector<1x1024x2048xf32> to vector<1024x2048xf32>
    %get3A_4 = arith.constant 0 : index
    %get3A_5 = arith.constant 0 : index
    %get3A_6 = vector.load %arg2[%get3A_4, %get3A_5] : memref<48x1024xf32, #tpu.memory_space<vmem>>, vector<48x1024xf32>
    %dot_general3A = arith.constant dense<0.000000e+00> : vector<48x2048xf32>
    %dot_general3A_7 = tpu.matmul %get3A_6, %get3A_3, %dot_general3A {dimension_numbers = #tpu.dot_dimension_numbers<[1], [0], [0], [1], [0, 0, 1, 1], [], []>, transpose_lhs_hint = false} : vector<48x1024xf32>, vector<1024x2048xf32>, vector<48x2048xf32> -> vector<48x2048xf32>
    %get3A_8 = arith.constant 0 : index
    %get3A_9 = arith.constant 0 : index
    %get3A_10 = vector.load %arg3[%get3A_8, %get3A_9] : memref<16x8xf32, #tpu.memory_space<vmem>>, vector<16x1xf32>
    %get3A_11 = arith.constant 0 : index
    %get3A_12 = arith.constant 1 : index
    %get3A_13 = vector.load %arg3[%get3A_11, %get3A_12] : memref<16x8xf32, #tpu.memory_space<vmem>>, vector<16x1xf32>
    %get3A_14 = arith.constant 0 : index
    %get3A_15 = arith.constant 2 : index
    %get3A_16 = vector.load %arg3[%get3A_14, %get3A_15] : memref<16x8xf32, #tpu.memory_space<vmem>>, vector<16x1xf32>
    %slice3A = vector.extract_strided_slice %dot_general3A_7 {offsets = [0, 0], sizes = [16, 2048], strides = [1, 1]} : vector<48x2048xf32> to vector<16x2048xf32>
    %slice3A_17 = vector.extract_strided_slice %dot_general3A_7 {offsets = [16, 0], sizes = [16, 2048], strides = [1, 1]} : vector<48x2048xf32> to vector<16x2048xf32>
    %roll3A = arith.constant 2047 : i32
    %roll3A_18 = tpu.dynamic_rotate %slice3A_17 by %roll3A dim 1 : vector<16x2048xf32>, i32 -> vector<16x2048xf32>
    %add3A = arith.addf %slice3A, %roll3A_18 : vector<16x2048xf32>
    %slice3A_19 = vector.extract_strided_slice %dot_general3A_7 {offsets = [32, 0], sizes = [16, 2048], strides = [1, 1]} : vector<48x2048xf32> to vector<16x2048xf32>
    %roll3A_20 = arith.constant 2046 : i32
    %roll3A_21 = tpu.dynamic_rotate %slice3A_19 by %roll3A_20 dim 1 : vector<16x2048xf32>, i32 -> vector<16x2048xf32>
    %add3A_22 = arith.addf %add3A, %roll3A_21 : vector<16x2048xf32>
    %add3A_23 = vector.broadcast %get3A_10 : vector<16x1xf32> to vector<16x2048xf32>
    %add3A_24 = arith.addf %add3A_22, %add3A_23 : vector<16x2048xf32>
    %iota3A = tpu.iota {dimensions = array<i32: 1>} : vector<16x2048xi32>
    %lt3A = arith.constant 2046 : i32
    %lt3A_25 = vector.broadcast %lt3A : i32 to vector<16x2048xi32>
    %lt3A_26 = arith.cmpi slt, %iota3A, %lt3A_25 : vector<16x2048xi32>
    %jit3A = arith.constant 0.000000e+00 : f32
    %broadcast_in_dim3A = vector.broadcast %jit3A : f32 to vector<16x2048xf32>
    %select_n3A = arith.select %lt3A_26, %add3A_24, %broadcast_in_dim3A : vector<16x2048xi1>, vector<16x2048xf32>
    %reduce_sum3A = arith.constant dense<0.000000e+00> : vector<16xf32>
    %reduce_sum3A_27 = vector.multi_reduction <add>, %select_n3A, %reduce_sum3A [1] : vector<16x2048xf32> to vector<16xf32>
    %broadcast_in_dim3A_28 = vector.shape_cast %reduce_sum3A_27 : vector<16xf32> to vector<16x1xf32>
    %div3A = arith.constant 2.046000e+03 : f32
    %div3A_29 = vector.broadcast %div3A : f32 to vector<16x1xf32>
    %div3A_30 = arith.divf %broadcast_in_dim3A_28, %div3A_29 : vector<16x1xf32>
    %sub3A = vector.broadcast %div3A_30 : vector<16x1xf32> to vector<16x2048xf32>
    %sub3A_31 = arith.subf %add3A_24, %sub3A : vector<16x2048xf32>
    %jit3A_32 = arith.constant 0.000000e+00 : f32
    %broadcast_in_dim3A_33 = vector.broadcast %jit3A_32 : f32 to vector<16x2048xf32>
    %select_n3A_34 = arith.select %lt3A_26, %sub3A_31, %broadcast_in_dim3A_33 : vector<16x2048xi1>, vector<16x2048xf32>
    %mul3A = arith.mulf %select_n3A_34, %select_n3A_34 : vector<16x2048xf32>
    %reduce_sum3A_35 = arith.constant dense<0.000000e+00> : vector<16xf32>
    %reduce_sum3A_36 = vector.multi_reduction <add>, %mul3A, %reduce_sum3A_35 [1] : vector<16x2048xf32> to vector<16xf32>
    %broadcast_in_dim3A_37 = vector.shape_cast %reduce_sum3A_36 : vector<16xf32> to vector<16x1xf32>
    %div3A_38 = arith.constant 2.046000e+03 : f32
    %div3A_39 = vector.broadcast %div3A_38 : f32 to vector<16x1xf32>
    %div3A_40 = arith.divf %broadcast_in_dim3A_37, %div3A_39 : vector<16x1xf32>
    %sub3A_41 = vector.broadcast %div3A_30 : vector<16x1xf32> to vector<16x2048xf32>
    %sub3A_42 = arith.subf %add3A_24, %sub3A_41 : vector<16x2048xf32>
    %add3A_43 = arith.constant 9.99999974E-6 : f32
    %add3A_44 = vector.broadcast %add3A_43 : f32 to vector<16x1xf32>
    %add3A_45 = arith.addf %div3A_40, %add3A_44 : vector<16x1xf32>
    %rsqrt3A = math.rsqrt %add3A_45 : vector<16x1xf32>
    %mul3A_46 = vector.broadcast %rsqrt3A : vector<16x1xf32> to vector<16x2048xf32>
    %mul3A_47 = arith.mulf %sub3A_42, %mul3A_46 : vector<16x2048xf32>
    %mul3A_48 = vector.broadcast %get3A_13 : vector<16x1xf32> to vector<16x2048xf32>
    %mul3A_49 = arith.mulf %mul3A_47, %mul3A_48 : vector<16x2048xf32>
    %add3A_50 = vector.broadcast %get3A_16 : vector<16x1xf32> to vector<16x2048xf32>
    %add3A_51 = arith.addf %mul3A_49, %add3A_50 : vector<16x2048xf32>
    %abs3A = math.absf %get3A_13 : vector<16x1xf32>
    %mul3A_52 = arith.constant 2.000000e+00 : f32
    %mul3A_53 = vector.broadcast %mul3A_52 : f32 to vector<16x1xf32>
    %mul3A_54 = arith.mulf %mul3A_53, %abs3A : vector<16x1xf32>
    %sub3A_55 = arith.subf %get3A_16, %mul3A_54 : vector<16x1xf32>
    %broadcast_in_dim3A_56 = vector.shape_cast %sub3A_55 : vector<16x1xf32> to vector<16x1xf32>
    %broadcast_in_dim3A_57 = vector.broadcast %broadcast_in_dim3A_56 : vector<16x1xf32> to vector<16x2048xf32>
    %select_n3A_58 = arith.select %lt3A_26, %add3A_51, %broadcast_in_dim3A_57 : vector<16x2048xi1>, vector<16x2048xf32>
    %swap3A = arith.constant 0 : index
    %swap3A_59 = arith.constant 0 : index
    %swap3A_60 = vector.load %arg4[%swap3A, %swap3A_59] : memref<16x2048xf32, #tpu.memory_space<vmem>>, vector<16x2048xf32>
    tpu.vector_store %arg4[%swap3A, %swap3A_59], %select_n3A_58 {strides = array<i32>} : memref<16x2048xf32, #tpu.memory_space<vmem>>, vector<16x2048xf32>,
    %abs3A_61 = math.absf %get3A_13 : vector<16x1xf32>
    %jit3A_62 = arith.constant 0xFF800000 : f32
    %broadcast_in_dim3A_63 = vector.broadcast %jit3A_62 : f32 to vector<16x2048xf32>
    %select_n3A_64 = arith.select %lt3A_26, %add3A_51, %broadcast_in_dim3A_63 : vector<16x2048xi1>, vector<16x2048xf32>
    %mul3A_65 = arith.constant 1.050000e+00 : f32
    %mul3A_66 = vector.broadcast %mul3A_65 : f32 to vector<16x1xf32>
    %mul3A_67 = arith.mulf %mul3A_66, %abs3A_61 : vector<16x1xf32>
    %sub3A_68 = arith.subf %get3A_16, %mul3A_67 : vector<16x1xf32>
    %mul3A_69 = arith.constant 5.700000e+00 : f32
    %mul3A_70 = vector.broadcast %mul3A_69 : f32 to vector<16x1xf32>
    %mul3A_71 = arith.mulf %mul3A_70, %abs3A_61 : vector<16x1xf32>
    %add3A_72 = arith.addf %get3A_16, %mul3A_71 : vector<16x1xf32>
    %scan3A = arith.constant 0 : i32
    %scan3A_73 = arith.constant 6 : i32
    %scan3A_74 = arith.addi %scan3A, %scan3A_73 : i32
    %scan3A_75 = arith.constant 1 : i32
    %scan3A_76:2 = scf.for %scan3A_82 = %scan3A to %scan3A_74 step %scan3A_75 iter_args(%scan3A_83 = %sub3A_68, %scan3A_84 = %add3A_72) -> (vector<16x1xf32>, vector<16x1xf32>)  : i32 {
      %add3A_85 = arith.addf %scan3A_83, %scan3A_84 : vector<16x1xf32>
      %mul3A_86 = arith.constant 5.000000e-01 : f32
      %mul3A_87 = vector.broadcast %mul3A_86 : f32 to vector<16x1xf32>
      %mul3A_88 = arith.mulf %mul3A_87, %add3A_85 : vector<16x1xf32>
      %ge3A = vector.broadcast %mul3A_88 : vector<16x1xf32> to vector<16x2048xf32>
      %ge3A_89 = arith.cmpf oge, %select_n3A_64, %ge3A : vector<16x2048xf32>
      %jit3A_90 = arith.constant 1.000000e+00 : f32
      %jit3A_91 = arith.constant 0.000000e+00 : f32
      %broadcast_in_dim3A_92 = vector.broadcast %jit3A_90 : f32 to vector<16x2048xf32>
      %broadcast_in_dim3A_93 = vector.broadcast %jit3A_91 : f32 to vector<16x2048xf32>
      %select_n3A_94 = arith.select %ge3A_89, %broadcast_in_dim3A_92, %broadcast_in_dim3A_93 : vector<16x2048xi1>, vector<16x2048xf32>
      %reduce_sum3A_95 = arith.constant dense<0.000000e+00> : vector<16xf32>
      %reduce_sum3A_96 = vector.multi_reduction <add>, %select_n3A_94, %reduce_sum3A_95 [1] : vector<16x2048xf32> to vector<16xf32>
      %broadcast_in_dim3A_97 = vector.shape_cast %reduce_sum3A_96 : vector<16xf32> to vector<16x1xf32>
      %ge3A_98 = arith.constant 6.400000e+01 : f32
      %ge3A_99 = vector.broadcast %ge3A_98 : f32 to vector<16x1xf32>
      %ge3A_100 = arith.cmpf oge, %broadcast_in_dim3A_97, %ge3A_99 : vector<16x1xf32>
      %select_n3A_101 = arith.select %ge3A_100, %mul3A_88, %scan3A_83 : vector<16x1xi1>, vector<16x1xf32>
      %select_n3A_102 = arith.select %ge3A_100, %scan3A_84, %mul3A_88 : vector<16x1xi1>, vector<16x1xf32>
      scf.yield %select_n3A_101, %select_n3A_102 : vector<16x1xf32>, vector<16x1xf32>
    }
    %broadcast_in_dim3A_77 = arith.constant 0.000000e+00 : f32
    %broadcast_in_dim3A_78 = vector.broadcast %broadcast_in_dim3A_77 : f32 to vector<16x14xf32>
    %concatenate3A = tpu.concatenate %scan3A_76#0, %scan3A_76#1, %broadcast_in_dim3A_78 in 1 : vector<16x1xf32>, vector<16x1xf32>, vector<16x14xf32> -> vector<16x16xf32>
    %swap3A_79 = arith.constant 0 : index
    %swap3A_80 = arith.constant 0 : index
    %swap3A_81 = vector.load %arg5[%swap3A_79, %swap3A_80] : memref<16x16xf32, #tpu.memory_space<vmem>>, vector<16x16xf32>
    tpu.vector_store %arg5[%swap3A_79, %swap3A_80], %concatenate3A {strides = array<i32>} : memref<16x16xf32, #tpu.memory_space<vmem>>, vector<16x16xf32>,
    return
  }
  func.func @transform_0(%arg0: i32) -> (i32, i32, i32) {
    %c0_i32 = arith.constant 0 : i32
    %c0_i32_0 = arith.constant 0 : i32
    %c0_i32_1 = arith.constant 0 : i32
    return %arg0, %c0_i32, %c0_i32_0 : i32, i32, i32
  }
  func.func @transform_1(%arg0: i32) -> (i32, i32) {
    %c0_i32 = arith.constant 0 : i32
    %c0_i32_0 = arith.constant 0 : i32
    %c0_i32_1 = arith.constant 0 : i32
    return %c0_i32, %c0_i32_0 : i32, i32
  }
  func.func @transform_2(%arg0: i32) -> (i32, i32) {
    %c0_i32 = arith.constant 0 : i32
    %c0_i32_0 = arith.constant 0 : i32
    %c0_i32_1 = arith.constant 0 : i32
    return %c0_i32, %c0_i32_0 : i32, i32
  }
  func.func @transform_3(%arg0: i32) -> (i32, i32) {
    %c0_i32 = arith.constant 0 : i32
    %c0_i32_0 = arith.constant 0 : i32
    return %arg0, %c0_i32 : i32, i32
  }
  func.func @transform_4(%arg0: i32) -> (i32, i32) {
    %c0_i32 = arith.constant 0 : i32
    %c0_i32_0 = arith.constant 0 : i32
    return %arg0, %c0_i32 : i32, i32
  }
}

module attributes {stable_mosaic.version = 14 : i64} {
  func.func @_mask_scale_body(%arg0: i32, %arg1: memref<1x1024x2048xf32, #tpu.memory_space<vmem>>, %arg2: memref<16x2048xf32, #tpu.memory_space<vmem>>, %arg3: memref<16x16xf32, #tpu.memory_space<vmem>>, %arg4: memref<16x8xf32, #tpu.memory_space<vmem>>, %arg5: memref<1x1024x2048xf32, #tpu.memory_space<vmem>>) attributes {dimension_semantics = [#tpu.dimension_semantics<arbitrary>], iteration_bounds = array<i64: 2>, scalar_prefetch = 0 : i64, scratch_operands = 0 : i64, tpu.core_type = #tpu.core_type<tc>, window_params = [{transform_indices = @transform_0, window_bounds = array<i64: 1, 1024, 2048>}, {transform_indices = @transform_1, window_bounds = array<i64: 16, 2048>}, {transform_indices = @transform_2, window_bounds = array<i64: 16, 16>}, {pipeline_mode = #tpu.pipeline_mode<synchronous>, transform_indices = @transform_3, window_bounds = array<i64: 16, 8>}, {transform_indices = @transform_4, window_bounds = array<i64: 1, 1024, 2048>}]} {
    %get3A = arith.constant 0 : index
    %get3A_0 = arith.constant 0 : index
    %get3A_1 = vector.load %arg2[%get3A, %get3A_0] : memref<16x2048xf32, #tpu.memory_space<vmem>>, vector<16x2048xf32>
    %get3A_2 = arith.constant 0 : index
    %get3A_3 = arith.constant 0 : index
    %get3A_4 = vector.load %arg3[%get3A_2, %get3A_3] : memref<16x16xf32, #tpu.memory_space<vmem>>, vector<16x1xf32>
    %get3A_5 = arith.constant 0 : index
    %get3A_6 = arith.constant 3 : index
    %get3A_7 = vector.load %arg4[%get3A_5, %get3A_6] : memref<16x8xf32, #tpu.memory_space<vmem>>, vector<16x1xf32>
    %ge3A = vector.broadcast %get3A_4 : vector<16x1xf32> to vector<16x2048xf32>
    %ge3A_8 = arith.cmpf oge, %get3A_1, %ge3A : vector<16x2048xf32>
    %logistic3A = arith.negf %get3A_1 : vector<16x2048xf32>
    %logistic3A_9 = math.exp %logistic3A : vector<16x2048xf32>
    %logistic3A_10 = arith.constant 1.000000e+00 : f32
    %logistic3A_11 = vector.broadcast %logistic3A_10 : f32 to vector<16x2048xf32>
    %logistic3A_12 = arith.addf %logistic3A_11, %logistic3A_9 : vector<16x2048xf32>
    %logistic3A_13 = arith.divf %logistic3A_11, %logistic3A_12 : vector<16x2048xf32>
    %jit3A = arith.constant 0.000000e+00 : f32
    %broadcast_in_dim3A = vector.broadcast %jit3A : f32 to vector<16x2048xf32>
    %select_n3A = arith.select %ge3A_8, %logistic3A_13, %broadcast_in_dim3A : vector<16x2048xi1>, vector<16x2048xf32>
    %roll3A = arith.constant 1 : i32
    %roll3A_14 = tpu.dynamic_rotate %select_n3A by %roll3A dim 1 : vector<16x2048xf32>, i32 -> vector<16x2048xf32>
    %add3A = arith.addf %select_n3A, %roll3A_14 : vector<16x2048xf32>
    %roll3A_15 = arith.constant 2 : i32
    %roll3A_16 = tpu.dynamic_rotate %select_n3A by %roll3A_15 dim 1 : vector<16x2048xf32>, i32 -> vector<16x2048xf32>
    %add3A_17 = arith.addf %add3A, %roll3A_16 : vector<16x2048xf32>
    %mul3A = vector.broadcast %get3A_7 : vector<16x1xf32> to vector<16x2048xf32>
    %mul3A_18 = arith.mulf %add3A_17, %mul3A : vector<16x2048xf32>
    %reduce_sum3A = arith.constant dense<0.000000e+00> : vector<2048xf32>
    %reduce_sum3A_19 = vector.multi_reduction <add>, %mul3A_18, %reduce_sum3A [0] : vector<16x2048xf32> to vector<2048xf32>
    %broadcast_in_dim3A_20 = vector.shape_cast %reduce_sum3A_19 : vector<2048xf32> to vector<1x2048xf32>
    %mul3A_21 = arith.constant 0.333333343 : f32
    %mul3A_22 = vector.broadcast %mul3A_21 : f32 to vector<1x2048xf32>
    %mul3A_23 = arith.mulf %broadcast_in_dim3A_20, %mul3A_22 : vector<1x2048xf32>
    %get3A_24 = arith.constant 0 : index
    %get3A_25 = arith.constant 0 : index
    %get3A_26 = arith.constant 0 : index
    %get3A_27 = vector.load %arg1[%get3A_24, %get3A_25, %get3A_26] : memref<1x1024x2048xf32, #tpu.memory_space<vmem>>, vector<1x1024x2048xf32>
    %get3A_28 = vector.shape_cast %get3A_27 : vector<1x1024x2048xf32> to vector<1024x2048xf32>
    %mul3A_29 = vector.broadcast %mul3A_23 : vector<1x2048xf32> to vector<1024x2048xf32>
    %mul3A_30 = arith.mulf %get3A_28, %mul3A_29 : vector<1024x2048xf32>
    %get3A_31 = arith.constant 0 : index
    %get3A_32 = arith.constant 4 : index
    %get3A_33 = vector.load %arg4[%get3A_31, %get3A_32] : memref<16x8xf32, #tpu.memory_space<vmem>>, vector<1x1xf32>
    %add3A_34 = vector.broadcast %get3A_33 : vector<1x1xf32> to vector<1024x2048xf32>
    %add3A_35 = arith.addf %mul3A_30, %add3A_34 : vector<1024x2048xf32>
    %swap3A = arith.constant 0 : index
    %swap3A_36 = arith.constant 0 : index
    %swap3A_37 = arith.constant 0 : index
    %swap3A_38 = vector.load %arg5[%swap3A, %swap3A_36, %swap3A_37] : memref<1x1024x2048xf32, #tpu.memory_space<vmem>>, vector<1x1024x2048xf32>
    %swap3A_39 = vector.shape_cast %swap3A_38 : vector<1x1024x2048xf32> to vector<1024x2048xf32>
    %swap3A_40 = vector.shape_cast %add3A_35 : vector<1024x2048xf32> to vector<1x1024x2048xf32>
    tpu.vector_store %arg5[%swap3A, %swap3A_36, %swap3A_37], %swap3A_40 {strides = array<i32>} : memref<1x1024x2048xf32, #tpu.memory_space<vmem>>, vector<1x1024x2048xf32>,
    return
  }
  func.func @transform_0(%arg0: i32) -> (i32, i32, i32) {
    %c0_i32 = arith.constant 0 : i32
    %c0_i32_0 = arith.constant 0 : i32
    %c0_i32_1 = arith.constant 0 : i32
    return %arg0, %c0_i32, %c0_i32_0 : i32, i32, i32
  }
  func.func @transform_1(%arg0: i32) -> (i32, i32) {
    %c0_i32 = arith.constant 0 : i32
    %c0_i32_0 = arith.constant 0 : i32
    return %arg0, %c0_i32 : i32, i32
  }
  func.func @transform_2(%arg0: i32) -> (i32, i32) {
    %c0_i32 = arith.constant 0 : i32
    %c0_i32_0 = arith.constant 0 : i32
    return %arg0, %c0_i32 : i32, i32
  }
  func.func @transform_3(%arg0: i32) -> (i32, i32) {
    %c0_i32 = arith.constant 0 : i32
    %c0_i32_0 = arith.constant 0 : i32
    %c0_i32_1 = arith.constant 0 : i32
    return %c0_i32, %c0_i32_0 : i32, i32
  }
  func.func @transform_4(%arg0: i32) -> (i32, i32, i32) {
    %c0_i32 = arith.constant 0 : i32
    %c0_i32_0 = arith.constant 0 : i32
    %c0_i32_1 = arith.constant 0 : i32
    return %arg0, %c0_i32, %c0_i32_0 : i32, i32, i32
  }
}

</mosaic_0001>

<sc_bundles>
// kernel: kernel.5.cloned.1.call-start
scs
__scs_entry_jumppad:
0x0: {  	(pc) =	sbr.rel $0x88, $3  }
0x1: {  	(tag) =	ssettag $0x0;
	lr =	simm.s32 $0x1  }
0x2: {  	[smem:$0x3F9A] =	sst lr;
	_ =	strace $0xD0000000  }
0x3: {  	_ = 	snop  }
0x4: {  	_ = 	snop  }
0x5: {  	_ = 	snop  }
0x6: {  	_ = 	snop  }
0x7: {  	_ = 	snop  }
__scs_overlays_trampoline_lowered:
0x8: {  	[smem:$0x3FA9] =	sst s0  }
0x9: {  	[smem:$0x3FAA] =	sst s1  }
0xa: {  	[smem:$0x3FAB] =	sst s2  }
0xb: {  	[smem:$0x3FAC] =	sst s3  }
0xc: {  	[smem:$0x3FAD] =	sst s4  }
0xd: {  	[smem:$0x3FAE] =	sst s5  }
0xe: {  	[smem:$0x3FAF] =	sst s6  }
0xf: {  	[smem:$0x3FB0] =	sst s7  }
0x10: {  	[smem:$0x3FB1] =	sst s8  }
0x11: {  	[smem:$0x3FB2] =	sst s9;
	s0 =	simm.s32 @!p0 $0x0  }
0x12: {  	s1 =	sld [smem:$0x3F98];
	s0 =	simm.s32 @p0 $0x1  }
0x13: {  	[smem:$0x3FB3] =	sst s0;
	s0 =	simm.s32 @!p1 $0x0  }
0x14: {  	s2 =	sld [smem:$0x3F97];
	s0 =	simm.s32 @p1 $0x1  }
0x15: {  	[smem:$0x3FB4] =	sst s0;
	s0 =	simm.s32 @!p2 $0x0  }
0x16: {  	s3 =	sld [smem:$0x3FDB];
	s0 =	simm.s32 @p2 $0x1  }
0x17: {  	s4 =	simm.s32 $0x1BF5;
	[smem:$0x3FB6] =	sst s0  }
0x18: {  	s0 =	sld [smem:$0x3F99];
	_ =	swait.ge [sflag:s4], $0x0  }
0x19: {  	s7 =	sld [smem:$0x3F9A]  }
0x1a: {  	s8 =	sadd.s32 $0xFFFFE003, lr  }
0x1b: {  	s9 =	sadd.s32 $0xFFFFFEF7, lr;
	s5 =	simm.s32 $0xFFFFFFFF;
	p2 =	slt.u32 s8, $0xFFFFF086  }
0x1c: {  	p1 =	slt.u32 s9, $0xF7A;
	s5 =	simm.s32 @!p2 $0x0  }
0x1d: {  	s5 =	simm.s32 @p1 $0x1;
	p0 =	seq.s32 s7, s2  }
0x1e: {  	s7 =	smul.u32 @!p0 $0xF7A, s2;
	p2 =	seq.s32 @!p0 s5, $0x0  }
0x1f: {  	s9 =	smul.u32 $0xF7A, s1;
	s8 =	simm.s32 @!p0 $0x1BF5;
	p2 =	por !p2, p0  }
0x20: {  	[sflag:s8] =	ssyncset.s32 @!p0 $0xFFFFF086;
	s6 =	sadd.s32 @!p0 s3, s7;
	s7 =	simm.s32 @!p0 $0x108  }
0x21: {  	s3 =	sadd.s32 s3, s9;
	s6 =	sadd.s32 @!p0 $0x88, s6;
	s7 =	simm.s32 @p2 $0x1082  }
0x22: {  	[simem:s7], [sflag:s8] =	dma.local @!p0 [hbm:s6], $0xF7A  }
0x23: {  	s9 =	sor.u32 $0xD0000000, s2;
	s6 =	simm.s32 $0x108;
	_ =	swait.ge @!p0 [sflag:s8], $0x0  }
0x24: {  	s3 =	sadd.s32 $0x88, s3;
	s6 =	simm.s32 @!p1 $0x1082;
	[sflag:s4] =	ssyncset.s32 $0xFFFFF086  }
0x25: {  	[simem:s6], [sflag:s4] =	dma.local [hbm:s3], $0xF7A  }
0x26: {  	[smem:$0x3F9A] =	sst s1;
	(tag) =	ssettag s2;
	_ =	strace s9  }
0x27: {  	s1 =	sld [smem:$0x3FAA]  }
0x28: {  	s2 =	sld [smem:$0x3FAB]  }
0x29: {  	s4 =	sld [smem:$0x3FAD]  }
0x2a: {  	p0 =	seq.s32 s5, $0x0;
	s5 =	sld [smem:$0x3FAE]  }
0x2b: {  	s6 =	sld [smem:$0x3FAF]  }
0x2c: {  	s7 =	sld [smem:$0x3FB0]  }
0x2d: {  	s3 =	simm.s32 $0x108;
	s8 =	sld [smem:$0x3FB1]  }
0x2e: {  	s3 =	simm.s32 @!p0 $0x1082;
	s9 =	sld [smem:$0x3FB2]  }
0x2f: {  	lr =	sadd.s32 s0, s3;
	s0 =	sld [smem:$0x3FA9]  }
0x30: {  	s3 =	sld [smem:$0x3FAC]  }
0x31: {  	[smem:$0x3FB5] =	sst s10  }
0x32: {  	s10 =	sld [smem:$0x3FB3];
	_ =	sdelay $0x3  }
0x33: {  	p0 =	seq.s32 s10, $0x1;
	s10 =	sld [smem:$0x3FB5];
	_ =	sdelay $0x3  }
0x34: {  	[smem:$0x3FB5] =	sst s10  }
0x35: {  	s10 =	sld [smem:$0x3FB4];
	_ =	sdelay $0x3  }
0x36: {  	p1 =	seq.s32 s10, $0x1;
	s10 =	sld [smem:$0x3FB5];
	_ =	sdelay $0x3  }
0x37: {  	[smem:$0x3FB5] =	sst s10  }
0x38: {  	s10 =	sld [smem:$0x3FB6]  }
0x39: {  	_ = 	snop;
	(pc) =	sbr.ind lr, $3  }
0x3a: {  	_ = 	snop  }
0x3b: {  	_ = 	snop  }
0x3c: {  	p2 =	seq.s32 s10, $0x1;
	s10 =	sld [smem:$0x3FB5]  }
0x3d: {  	_ =	shalt  }
0x3e: {  	_ =	shalt  }
0x3f: {  	_ =	shalt  }
0x40: {  	_ =	shalt  }
0x41: {  	_ =	shalt  }
0x42: {  	_ =	shalt  }
0x43: {  	_ =	shalt  }
0x44: {  	_ =	shalt  }
0x45: {  	_ =	shalt  }
0x46: {  	_ =	shalt  }
0x47: {  	_ =	shalt  }
0x48: {  	_ =	shalt  }
0x49: {  	_ =	shalt  }
0x4a: {  	_ =	shalt  }
0x4b: {  	_ =	shalt  }
0x4c: {  	_ =	shalt  }
0x4d: {  	_ =	shalt  }
0x4e: {  	_ =	shalt  }
0x4f: {  	_ =	shalt  }
0x50: {  	_ =	shalt  }
0x51: {  	_ =	shalt  }
0x52: {  	_ =	shalt  }
0x53: {  	_ =	shalt  }
0x54: {  	_ =	shalt  }
0x55: {  	_ =	shalt  }
0x56: {  	_ =	shalt  }
0x57: {  	_ =	shalt  }
0x58: {  	_ =	shalt  }
0x59: {  	_ =	shalt  }
0x5a: {  	_ =	shalt  }
0x5b: {  	_ =	shalt  }
0x5c: {  	_ =	shalt  }
0x5d: {  	_ =	shalt  }
0x5e: {  	_ =	shalt  }
0x5f: {  	_ =	shalt  }
0x60: {  	_ =	shalt  }
0x61: {  	_ =	shalt  }
0x62: {  	_ =	shalt  }
0x63: {  	_ =	shalt  }
0x64: {  	_ =	shalt  }
0x65: {  	_ =	shalt  }
0x66: {  	_ =	shalt  }
0x67: {  	_ =	shalt  }
0x68: {  	_ =	shalt  }
0x69: {  	_ =	shalt  }
0x6a: {  	_ =	shalt  }
0x6b: {  	_ =	shalt  }
0x6c: {  	_ =	shalt  }
0x6d: {  	_ =	shalt  }
0x6e: {  	_ =	shalt  }
0x6f: {  	_ =	shalt  }
0x70: {  	_ =	shalt  }
0x71: {  	_ =	shalt  }
0x72: {  	_ =	shalt  }
0x73: {  	_ =	shalt  }
0x74: {  	_ =	shalt  }
0x75: {  	_ =	shalt  }
0x76: {  	_ =	shalt  }
0x77: {  	_ =	shalt  }
0x78: {  	_ =	shalt  }
0x79: {  	_ =	shalt  }
0x7a: {  	_ =	shalt  }
0x7b: {  	_ =	shalt  }
0x7c: {  	_ =	shalt  }
0x7d: {  	_ =	shalt  }
0x7e: {  	_ =	shalt  }
0x7f: {  	_ =	shalt  }
0x80: {  	_ =	shalt  }
0x81: {  	_ =	shalt  }
0x82: {  	_ =	shalt  }
0x83: {  	_ =	shalt  }
0x84: {  	_ =	shalt  }
0x85: {  	_ =	shalt  }
0x86: {  	_ =	shalt  }
0x87: {  	_ =	shalt  }
.Lfunc_end0:
.L_simem_size_0:
called_computation_lowered:
.L_overlay_start_0:
0x88: {  	s2 =	sld [smem:$0x3FD9]  }
0x89: {  	s3 =	sld [smem:$0x3FFE];
	_ =	sdelay $0x1  }
0x8a: {  	s1 =	srdreg.scid  }
0x8b: {  	s0 =	sand.u32 $0x1, s1  }
0x8c: {  	s17 =	sshll.u32 s0, $0xA;
	s2 =	sadd.s32 s3, s2  }
0x8d: {  	s2 =	sadd.s32 s2, s17  }
0x8e: {  	[smem:$0x3FC1] =	sst s2  }
0x8f: {  	_ = 	snop  }
0x90: {  	s2 =	sld [smem:$0x3FD0];
	(tm) =	ssettm $0x1  }
0x91: {  	s18 =	sld [smem:$0x3FFB];
	_ =	sdelay $0x3  }
0x92: {  	_ =	strace s18  }
0x93: {  	s3 =	sld [smem:$0x3FFC];
	_ =	sdelay $0x3  }
0x94: {  	_ =	strace s3  }
0x95: {  	s3 =	sld [smem:$0x3FFD];
	_ =	sdelay $0x3  }
0x96: {  	_ =	strace s3  }
0x97: {  	_ =	strace $0x8FFFFFFF  }
0x98: {  	s19 =	sld [smem:$0x3FDB];
	_ =	sdelay $0x1  }
0x99: {  	s4 =	simm.s32 $_scs_section_size  }
0x9a: {  	s5 =	simm.s32 $_size__tile_overlayer_lowered;
	s6 =	simm.s32 $_tile_overlayer_lowered  }
0x9b: {  	s22 =	simm.s32 $0x1BFF;
	s21 =	sshll.u32 s6, $0x1;
	s3 =	sadd.s32 s4, s19  }
0x9c: {  	s7 =	simm.s32 $0x0;
	s20 =	sshll.u32 s5, $0x1;
	s5 =	sadd.s32 s21, s3  }
0x9d: {  	[timem:s7], [sflag:s22] =	dma.local [hbm:s5], s20  }
0x9e: {  	_ =	swait.ge [sflag:s22], s20  }
0x9f: {  	s4 =	ssub.s32 $0x0, s20;
	[sflag:s22] =	ssyncset.done $0x0  }
0xa0: {  	[sflag:s22] =	ssyncadd.s32 s4;
	_ =	sdelay $0x1  }
0xa1: {  	s23 =	simm.s32 $0x1B8B  }
0xa2: {  	_ =	swait.ge [sflag:s23], $0x1  }
0xa3: {  	[sflag:s23] =	ssyncset.done $0x0  }
0xa4: {  	s25 =	simm.s32 $0x1B8E;
	s24 =	sld [smem:$0x3FFE];
	[sflag:s23] =	ssyncadd.s32 $0xFFFFFFFF  }
0xa5: {  	s26 =	simm.s32 $execute0_lowered;
	[smem:$0x3FD2] =	sst s25  }
0xa6: {  	s5 =	sshll.u32 s26, $0x1;
	_ =	strace $0x80000046;
	[dreg:$0x1] =	wrdreg $0xFFFFFFFF  }
0xa7: {  	s28 =	simm.s32 $_size_execute0_lowered;
	s3 =	sadd.s32 s3, s5;
	[dreg:$0x0] =	wrdreg $0x0  }
0xa8: {  	s5 =	sshll.u32 s28, $0x1;
	[dreg:$0x2] =	wrdreg s3  }
0xa9: {  	[dreg:$0x3] =	wrdreg s5  }
0xaa: {  	[dreg:$0x4] =	wrdreg $0xC0  }
0xab: {  	_ =	task [dreg:s7], $0x5FFFF  }
0xac: {  	[dreg:$0x1] =	wrdreg $0xFFFFFFFF  }
0xad: {  	[dreg:$0x0] =	wrdreg $0x60  }
0xae: {  	[dreg:$0x2] =	wrdreg s2  }
0xaf: {  	[dreg:$0x3] =	wrdreg s24  }
0xb0: {  	[dreg:$0x4] =	wrdreg $0x9  }
0xb1: {  	_ =	task.clear_ibuf [dreg:s7], $0x5FFFF;
	_ =	strace $0x90000046  }
0xb2: {  	s29 =	simm.s32 $0x9;
	_ =	strace $0x80000048  }
0xb3: {  	_ =	swait.ge [sflag:s29], $0x1  }
0xb4: {  	[sflag:s29] =	ssyncadd.s32 $0xFFFFFFFF  }
0xb5: {  	_ =	strace $0x90000048  }
0xb6: {  	_ =	sfence  }
0xb7: {  	s30 =	sld [smem:$0x0];
	_ =	sdelay $0x2  }
0xb8: {  	s31 =	sshll.u32 s1, $0xD;
	s1 =	sshrl.u32 s1, $0x2  }
0xb9: {  	s3 =	sand.u32 $0x4000, s31;
	s1 =	sadd.s32 s1, s30  }
0xba: {  	s0 =	sor.u32 s3, s0;
	s1 =	sshll.u32 s1, $0x11  }
0xbb: {  	s0 =	sor.u32 s1, s0  }
0xbc: {  	s0 =	sadd.s32 $0x8F2B, s0  }
0xbd: {  	[sflag:s0] =	ssyncadd.remote.s32 $0x1  }
0xbe: {  	_ =	sfence.sel $0xFFFF  }
0xbf: {  	[dreg:$0x0] =	wrdreg $0xFFFFFFFF;
	(pc) =	sbr.abs _section_cstart, $3  }
0xc0: {  	[dreg:$0x1] =	wrdreg $0xFFFFFFFF  }
0xc1: {  	_ =	task.clear_ibuf [dreg:s7], $0x2FFFF;
	_ =	strace $0x9FFFFFFF  }
0xc2: {  	(tm) =	ssettm $0x7FFFFFFF  }
0xc3: {  	_ =	shalt  }
tec
execute0_lowered:
.L_overlay_start_1:
0x0: {  	(tag) =	ssettag $0x1  }
0x1: {  	s3 =	rddreg [dreg:$0x0]  }
0x2: {  	s4 =	rddreg [dreg:$0x1]  }
0x3: {  	s0 =	rddreg [dreg:$0x2];
	s2 =	simm.s32 $0x0  }
0x4: {  	s5 =	srdreg.scid;
	s1 =	stileid.u32;
	s10 =	simm.s32 $0x2  }
0x5: {  	s11 =	simm.s32 $0x1;
	s12 =	simm.s32 $0x1100;
	s13 =	simm.s32 $0x3  }
0x6: {  	s14 =	simm.s32 $0x0;
	[smem:$0x7FF] =	sst s2;
	s5 =	sand.u32 $0x1, s5  }
0x7: {  	s6 =	sshll.u32 s1, $0x8;
	s7 =	sshrl.u32 s1, $0x2;
	s8 =	sshll.u32 s5, $0x7  }
0x8: {  	s6 =	sand.u32 $0x300, s6;
	_ =	strace $0x80000047;
	s28 =	sshll.u32 s7, $0xA  }
0x9: {  	s5 =	ssub.s32 $0x2, s5;
	s7 =	sshll.u32 s7, $0xE;
	s6 =	sor.u32 s8, s6  }
.Ltmp0:
0xa: {  	s9 =	sshrl.u32 s5, $0x1;
	s8 =	sor.u32 s28, s6;
	(pc) =	sbr.rel .LBB2_1-.Ltmp0, $4  }
0xb: {  	s6 =	sor.u32 s7, s6;
	s30 =	ssub.s32 s5, s9;
	s7 =	simm.s32 $0x80  }
0xc: {  	s9 =	simm.s32 $0x1080;
	s8 =	sshrl.u32 s8, $0x3;
	s31 =	sshrl.u32 s6, $0x3  }
0xd: {  	s6 =	smax.u32 s30, $0x1;
	s29 =	sadd.s32 s8, s4;
	s3 =	sadd.s32 s3, s31  }
0xe: {  	v0 =	vimm.f32 $0.0e+00;
	s8 =	simm.s32 $0x400;
	s4 =	sadd.s32 $0x1200, s29;
	s5 =	sadd.s32 $0x1400, s29  }
.LBB2_10:
0xf: {  	s14 =	sadd.s32 $0x1, s14  }
0x10: {  	v1 =	vmov s15;
	p0 =	sne.s32 s14, s6  }
.Ltmp1:
0x11: {  	[tilespmem:$0x1100] =	vst v1;
	(pc) =	sbr.rel @!p0 .LBB2_11-.Ltmp1, $4  }
0x12: {  	[hbm4b:s5+s2] =	stream.linear.scatter [tilespmem:s12], [sflag:$0x3], $0x80, $0x38;
	[tilespmem:$0x1180] =	vst v63  }
0x13: {  	_ =	swait.ge [sflag:s13], $0x80  }
0x14: {  	[sflag:s13] =	ssyncset.done $0x0  }
0x15: {  	[sflag:s13] =	ssyncadd.s32 $0xFFFFFF80  }
.LBB2_1:
0x16: {  	[tilespmem:s2], [sflag:$0x1] =	stream.strided.gather [hbm4b:s3+s7], $0x800, s8, s7, $0x38;
	[tilespmem:$0x1180] =	vst v63  }
0x17: {  	_ = 	snop  }
0x18: {  	[tilespmem:s9], [sflag:$0x2] =	stream.linear.gather [hbm4b:s4+s2], $0x80, $0x38;
	[tilespmem:$0x1180] =	vst v63  }
0x19: {  	_ =	swait.ge [sflag:s10], $0x80  }
0x1a: {  	[sflag:s10] =	ssyncset.done $0x0  }
0x1b: {  	[sflag:s10] =	ssyncadd.s32 $0xFFFFFF80  }
0x1c: {  	v1 =	vld [tilespmem:$0x1080];
	_ =	swait.ge [sflag:s11], $0x800  }
0x1d: {  	[sflag:s11] =	ssyncset.done $0x0  }
0x1e: {  	s15 =	simm.s32 $0x0;
	[sflag:s11] =	ssyncadd.s32 $0xFFFFF800  }
0x1f: {  	v3 =	vld [tilespmem:s15+$0x0];
	_ =	sdelay $0x2  }
0x20: {  	v2 =	vbroadcast v1, $0x0;
	_ =	sdelay $0x1  }
0x21: {  	vm0 =	vge.f32 v3, v2  }
0x22: {  	v4 =	vmpcnt.ones.xlane vm0;
	_ =	sdelay $0x1  }
0x23: {  	v4 =	vxor.u32 $0x80000000, v4  }
0x24: {  	(xrf0) =	vmax.scan.msk.u32 $0xffff, v4;
	_ =	sdelay $0x5  }
0x25: {  	v4, _, _ =	vpop (xrf0)  }
0x26: {  	(v2sf) =	vpush v4, $0xF  }
0x27: {  	s17 =	simm.s32 $0x10;
	s16 =	simm.s32 $0x80;
	s15 =	simm.s32 $0x0;
	[tilespmem:s2+$0x800] =	vst.msk vm0, v3  }
.LBB2_2:
0x28: {  	p0 =	sne.s32 s16, $0x1FC0;
	v3 =	vld [tilespmem:s17+$0x0];
	_ =	sdelay $0x4  }
0x29: {  	vm0 =	vge.f32 v3, v2  }
0x2a: {  	v4 =	vmpcnt.ones.xlane vm0;
	_ =	sdelay $0x1  }
0x2b: {  	v4 =	vxor.u32 $0x80000000, v4  }
0x2c: {  	(xrf0) =	vmax.scan.msk.u32 $0xffff, v4;
	_ =	sdelay $0x3  }
.Ltmp2:
0x2d: {  	s17 =	spop (v2sf);
	(pc) =	sbr.rel @p0 .LBB2_2-.Ltmp2, $4  }
0x2e: {  	s15 =	sadd.s32 s17, s15  }
0x2f: {  	v4, _, _ =	vpop (xrf0);
	s15 =	sadd.s32 $0x80000000, s15  }
0x30: {  	[tilespmem:s15+$0x800] =	vst.msk vm0, v3;
	(v2sf) =	vpush v4, $0xF  }
0x31: {  	s17 =	sshra.s32 s16, $0x2;
	s16 =	sadd.s32 $0x40, s16  }
0x32: {  	v3 =	vld [tilespmem:s17+$0x0];
	_ =	sdelay $0x4  }
0x33: {  	vm0 =	vge.f32 v3, v2  }
0x34: {  	v2 =	vmpcnt.ones.xlane vm0;
	_ =	sdelay $0x1  }
0x35: {  	v2 =	vxor.u32 $0x80000000, v2  }
0x36: {  	(xrf0) =	vmax.scan.msk.u32 $0xffff, v2;
	_ =	sdelay $0x5  }
0x37: {  	v2, _, _ =	vpop (xrf0)  }
0x38: {  	(v2sf) =	vpush v2, $0xF;
	_ =	sdelay $0x2  }
0x39: {  	(v2sf) =	vpush v1, $0x0;
	_ =	sdelay $0x6  }
0x3a: {  	(v2sf) =	vpush v1, $0x1;
	_ =	sdelay $0x2  }
0x3b: {  	s16 =	spop (v2sf)  }
0x3c: {  	s15 =	sadd.s32 s16, s15  }
0x3d: {  	s29 =	sadd.s32 $0x80000000, s15;
	s28 =	spop (v2sf)  }
0x3e: {  	s15 =	sadd.s32 s28, s29  }
0x3f: {  	s18 =	sadd.s32 $0x80000000, s15  }
0x40: {  	s15 =	spop (v2sf);
	s30 =	sadd.s32 $0xF, s18  }
0x41: {  	s31 =	sadd.f32 $-1.000000000e+00, s15;
	s19 =	sand.u32 $0xF, s30  }
0x42: {  	s20 =	sshra.s32 s30, $0x1F;
	p0 =	slt.s32 s30, $0x1;
	p1 =	sne.s32 s19, $0x0  }
.Ltmp3:
0x43: {  	s20 =	sshrl.u32 s20, $0x1C;
	p0 =	por !p0, !p1;
	(pc) =	sbr.rel .LBB2_4-.Ltmp3, $4  }
0x44: {  	s16 =	sadd.s32 s20, s30;
	s20 =	simm.s32 $0x1;
	p0 =	por !p0, !p0  }
0x45: {  	s16 =	sshra.s32 s16, $0x4;
	s20 =	simm.s32 @!p0 $0x0  }
0x46: {  	[tilespmem:s29+$0x800] =	vst.msk vm0, v3;
	v1 =	vmov s31;
	s16 =	ssub.s32 s16, s20  }
0x47: {  	s17 =	spop (v2sf);
	[tilespmem:s18+$0x800] =	vst v1;
	s18 =	simm.s32 $0x0;
	p0 =	slt.s32 s16, $0x1  }
.LBB2_5:
0x48: {  	v1 =	vimm.f32 $0.0e+00  }
.LBB2_9:
0x49: {  	(xrf2) =	vadd.scan.msk.f32 $0xffff, v1;
	_ =	sdelay $0x9  }
0x4a: {  	v1, _, _ =	vpop (xrf2)  }
0x4b: {  	(v2sf) =	vpush v1, $0xF;
	_ =	sdelay $0xe  }
0x4c: {  	s20 =	spop (v2sf)  }
0x4d: {  	p1 =	sge.f32 s20, $6.400000000e+01  }
0x4e: {  	s18 =	sadd.s32 $0x1, s18  }
0x4f: {  	s15 =	smov.u32 @p1 s19;
	s19 =	smov.u32 @p1 s17;
	p1 =	sne.s32 s18, $0x18  }
.Ltmp4:
0x50: {  	_ = 	snop;
	(pc) =	sbr.rel @!p1 .LBB2_10-.Ltmp4, $2  }
0x51: {  	_ =	sdelay $0x2  }
0x52: {  	s17 =	smov.u32 s19  }
.LBB2_4:
.Ltmp5:
0x53: {  	(pc) =	sbr.rel @p0 .LBB2_5-.Ltmp5, $3  }
0x54: {  	_ = 	snop  }
0x55: {  	s19 =	sadd.f32 s17, s15;
	_ =	sdelay $0x1  }
0x56: {  	s19 =	smul.f32 $5.000000000e-01, s19  }
0x57: {  	s20 =	simm.s32 $0x800  }
0x58: {  	p1 =	sne.s32 s16, $0x1;
	v3 =	vld [tilespmem:s20+$0x0]  }
.Ltmp6:
0x59: {  	_ = 	snop;
	(pc) =	sbr.rel @!p1 .LBB2_8-.Ltmp6, $3  }
0x5a: {  	_ =	sdelay $0x1  }
0x5b: {  	v2 =	vmov s19  }
0x5c: {  	v1 =	vimm.f32 $0.0e+00;
	s21 =	simm.s32 $0x810;
	s20 =	sadd.s32 $0xFFFFFFFF, s16;
	vm0 =	vge.f32 v3, v2  }
.LBB2_7:
0x5d: {  	v3 =	vld [tilespmem:s21+$0x0];
	p1 =	sne.s32 s20, $0x1;
	s20 =	sadd.s32 $0xFFFFFFFF, s20;
	v4 =	vsel vm0, $0x3F800000, v0  }
.Ltmp7:
0x5e: {  	v1 =	vadd.f32 v4, v1;
	(pc) =	sbr.rel @p1 .LBB2_7-.Ltmp7, $2  }
0x5f: {  	_ =	sdelay $0x2  }
0x60: {  	s21 =	sadd.s32 $0x10, s21;
	vm0 =	vge.f32 v3, v2  }
.LBB2_8:
.Ltmp8:
0x61: {  	(pc) =	sbr.rel .LBB2_9-.Ltmp8, $3  }
0x62: {  	_ = 	snop  }
0x63: {  	v2 =	vsel vm0, $0x3F800000, v0  }
0x64: {  	v1 =	vadd.f32 v2, v1;
	_ =	sdelay $0x1  }
.LBB2_11:
0x65: {  	_ =	sfence.sel $0x180000  }
0x66: {  	[bflag:$0x0] =	sbarrier.arrive $0xFFFF  }
0x67: {  	p0 =	sne.s32 s1, $0x0;
	_ =	strace $0x90000047  }
0x68: {  	s0 =	sadd.s32 @!p0 $0x100000, s0;
	[bflag:$0x2] =	sbarrier.arrive $0xFFFF  }
0x69: {  	[sflag:s0] =	ssyncadd.tile.s32 @!p0 $0x1;
	_ =	shalt  }
.Lfunc_end2:
_tile_overlayer_lowered:
.L_overlay_start_2:
0x6a: {  	(tag) =	ssettag $0x2  }
0x6b: {  	s0 =	rddreg [dreg:$0x0];
	s2 =	stileid.u32  }
0x6c: {  	s1 =	rddreg [dreg:$0x1];
	p0 =	sne.s32 s2, $0x0  }
0x6d: {  	s3 =	rddreg [dreg:$0x2];
	[bflag:$0x3] =	sbarrier.arrive $0xFFFF;
	s2 =	simm.s32 @!p0 $0x1C03  }
0x6e: {  	[timem:s3], [sflag:s2] =	dma.local @!p0 [hbm:s0], s1  }
0x6f: {  	s0 =	simm.s32 @!p0 $0x3  }
0x70: {  	_ =	swait.ge @!p0 [sflag:s0], s1  }
0x71: {  	s1 =	ssub.s32 @!p0 $0x0, s1;
	[sflag:s0] =	ssyncset.done @!p0 $0x0  }
0x72: {  	[sflag:s0] =	ssyncadd.s32 @!p0 s1  }
0x73: {  	[bflag:$0x3] =	sbarrier.arrive $0xFFFF  }
0x74: {  	_ =	shalt  }

</sc_bundles>
